<compile_context>
chip_gen: v7x
topology: tpu7x:2x2x1
jax: 0.10.2.dev20260603
libtpu: 0.0.44.dev20260713+nightly
codegen_flags: <defaults>
</compile_context>

<pallas_src>
import functools

import jax
import jax.numpy as jnp
from jax import lax
from jax.experimental import pallas as pl
from jax.experimental.pallas import tpu as pltpu
from jax.experimental.pallas import tpu_sc as plsc

_DIM = 64
_NC = 2
_NS = 16
_NW = _NC * _NS
_W = 8
_NBUF = 2


@functools.lru_cache(maxsize=None)
def _make_gather(n, vocab):
    assert n % (_NW * _W) == 0
    per_w = n // _NW
    n_win = per_w // _W
    assert n_win % _NBUF == 0
    mesh = plsc.VectorSubcoreMesh(core_axis_name="c", subcore_axis_name="s")

    @functools.partial(
        pl.kernel,
        out_type=jax.ShapeDtypeStruct((n, _DIM * _DIM), jnp.float32),
        mesh=mesh,
        scratch_types=[
            pltpu.VMEM((per_w,), jnp.int32),
            [pltpu.VMEM((_W, _DIM * _DIM), jnp.float32) for _ in range(_NBUF)],
            [pltpu.SemaphoreType.DMA for _ in range(_NBUF)],
            [pltpu.SemaphoreType.DMA for _ in range(_NBUF)],
        ],
    )
    def gather(maps_hbm, idx_hbm, out_hbm, idx_v, bufs, gsems, osems):
        wid = lax.axis_index("s") * _NC + lax.axis_index("c")
        base = wid * per_w
        pltpu.sync_copy(idx_hbm.at[pl.ds(base, per_w)], idx_v)

        def start_gather(w, buf_i):
            pltpu.async_copy(
                maps_hbm.at[idx_v.at[pl.ds(w * _W, _W)]], bufs[buf_i], gsems[buf_i]
            )

        def wait_gather(buf_i):
            pltpu.make_async_copy(
                maps_hbm.at[idx_v.at[pl.ds(0, _W)]], bufs[buf_i], gsems[buf_i]
            ).wait()

        def start_out(w, buf_i):
            pltpu.async_copy(
                bufs[buf_i],
                out_hbm.at[pl.ds(base + w * _W, _W)],
                osems[buf_i],
            )

        def wait_out(buf_i):
            pltpu.make_async_copy(
                bufs[buf_i], out_hbm.at[pl.ds(base, _W)], osems[buf_i]
            ).wait()

        start_gather(0, 0)

        def body(g, carry):
            for bi in range(_NBUF):
                w = g * _NBUF + bi
                wait_gather(bi)
                start_out(w, bi)
                nxt = (bi + 1) % _NBUF
                if bi + 1 < _NBUF:
                    @pl.when(g >= 1)
                    def _():
                        wait_out(nxt)
                else:
                    wait_out(nxt)
                @pl.when(w + 1 < n_win)
                def _():
                    start_gather(w + 1, nxt)
            return carry

        lax.fori_loop(0, n_win // _NBUF, body, 0)
        wait_out((n_win - 1) % _NBUF)

    return gather


def kernel(position_ids, maps):
    b, s = position_ids.shape
    vocab = maps.shape[0]
    idx = position_ids.reshape(b * s)
    maps2 = maps.reshape(vocab, _DIM * _DIM)
    out = _make_gather(b * s, vocab)(maps2, idx)
    return out.reshape(b, s, _DIM, _DIM)

# --- scband reference (transcript-rebuilt; emitter-appended) ---
"""Pipeline reference for scband-unitary-sequential-88716844466897 (READ-ONLY COPY).

The authoritative reference and input builder live on the scoring server;
editing this copy changes nothing except your own understanding.
"""

import jax, jax.numpy as jnp
import numpy as np
from math import ceil, log2

DIM = 64
SIZE = 4096
BATCH = 2
SEQ = 4096


def _orthogonal_primitive(key, dim):
    # torch _Orthogonal with orthogonal_map=matrix_exp: Q = expm(skew(A))
    A = jax.random.normal(key, (dim, dim), dtype=jnp.float32)
    skew = A - A.T
    return jax.scipy.linalg.expm(skew)


def _make_maps(P, size, dim):
    # UnitarySequential._make_maps: power-doubling of the primitive map
    maps = P[None]
    for _ in range(ceil(log2(size))):
        longest = maps[-1]
        expanded = maps @ longest
        maps = jnp.concatenate([maps, expanded], axis=0)
    maps = maps[:size]
    eye = jnp.eye(dim, dtype=P.dtype)[None]
    return jnp.concatenate([eye, maps], axis=0)  # [size+1, dim, dim]


def setup_inputs(seed: int = 0) -> dict:
    key = jax.random.key(seed)
    k1, k2 = jax.random.split(key)
    P = _orthogonal_primitive(k1, DIM)
    maps = _make_maps(P, SIZE, DIM)  # learned-derived table, treated as parameter at lookup time
    position_ids = jax.random.randint(k2, (BATCH, SEQ), 0, SIZE + 1, dtype=jnp.int32)
    return {"position_ids": position_ids, "maps": maps}


def reference(position_ids, maps):
    # forward: self.maps[position_ids] -> [B, S, dim, dim]
    return jnp.take(maps, position_ids, axis=0)

if __name__ == "__main__":
    import jax
    _d = setup_inputs()
    print(jax.jit(kernel)(*tuple(_d.values())))

</pallas_src>

<mosaic_0001>
#map = affine_map<(d0, d1) -> (0, 0)>
#map1 = affine_map<(d0, d1) -> (0)>
module attributes {stable_mosaic.version = 14 : i64} {
  func.func @gather(%arg0: i32, %arg1: i32, %arg2: memref<4097x4096xf32, #tpu.memory_space<hbm>>, %arg3: memref<8192xi32, #tpu.memory_space<hbm>>, %arg4: memref<8192x4096xf32, #tpu.memory_space<hbm>>, %arg5: memref<256xi32, #tpu.memory_space<vmem>>, %arg6: memref<8x4096xf32, #tpu.memory_space<vmem>>, %arg7: memref<8x4096xf32, #tpu.memory_space<vmem>>, %arg8: memref<!tpu.dma_semaphore, #tpu.memory_space<semaphore_mem>>, %arg9: memref<!tpu.dma_semaphore, #tpu.memory_space<semaphore_mem>>, %arg10: memref<!tpu.dma_semaphore, #tpu.memory_space<semaphore_mem>>, %arg11: memref<!tpu.dma_semaphore, #tpu.memory_space<semaphore_mem>>) attributes {dimension_semantics = [#tpu.dimension_semantics<core_parallel>, #tpu.dimension_semantics<subcore_parallel>], iteration_bounds = array<i64: 2, 16>, scalar_prefetch = 0 : i64, scratch_operands = 7 : i64, tpu.core_type = #tpu.core_type<sc_vector_subcore>, window_params = [{transform_indices = #map}, {transform_indices = #map1}, {transform_indices = #map}]} {
    %mul3A = arith.constant 2 : i32
    %mul3A_0 = arith.muli %arg1, %mul3A : i32
    %add3A = arith.addi %mul3A_0, %arg0 : i32
    %mul3A_1 = arith.constant 256 : i32
    %mul3A_2 = arith.muli %add3A, %mul3A_1 : i32
    "tpu.region"() ({
      %run_scoped3A = tpu.sem_alloc : memref<!tpu.dma_semaphore, #tpu.memory_space<semaphore_mem>>
      %dma_start3A_15 = tpu.memref_slice %arg3[%mul3A_2] : memref<8192xi32, #tpu.memory_space<hbm>> -> memref<256xi32, #tpu.memory_space<hbm>>
      %dma_start3A_16 = tpu.memref_slice %arg3[%mul3A_2] : memref<8192xi32, #tpu.memory_space<hbm>> -> memref<256xi32, #tpu.memory_space<hbm>>
      tpu.enqueue_dma source(%dma_start3A_16 : memref<256xi32, #tpu.memory_space<hbm>>) target(%arg5 : memref<256xi32, #tpu.memory_space<vmem>>) target_semaphore(%run_scoped3A : memref<!tpu.dma_semaphore, #tpu.memory_space<semaphore_mem>>)
      %dma_wait3A_17 = tpu.memref_slice %arg3[%mul3A_2] : memref<8192xi32, #tpu.memory_space<hbm>> -> memref<256xi32, #tpu.memory_space<hbm>>
      %dma_wait3A_18 = tpu.memref_slice %arg3[%mul3A_2] : memref<8192xi32, #tpu.memory_space<hbm>> -> memref<256xi32, #tpu.memory_space<hbm>>
      tpu.wait_dma2 semaphore(%run_scoped3A : memref<!tpu.dma_semaphore, #tpu.memory_space<semaphore_mem>>) src(%dma_wait3A_18 : memref<256xi32, #tpu.memory_space<hbm>>) dst(%arg5 : memref<256xi32, #tpu.memory_space<vmem>>)
      tpu.yield
    }) : () -> ()
    %dma_start3A = arith.constant 0 : i32
    %dma_start3A_3 = tpu.memref_slice %arg5[%dma_start3A] : memref<256xi32, #tpu.memory_space<vmem>> -> memref<8xi32, #tpu.memory_space<vmem>>
    %dma_start3A_4 = arith.constant 0 : i32
    %dma_start3A_5 = arith.constant 0 : i32
    %dma_start3A_6 = tpu.memref_slice %arg2[%dma_start3A_4, %dma_start3A_5] : memref<4097x4096xf32, #tpu.memory_space<hbm>> -> memref<4097x4096xf32, #tpu.memory_space<hbm>>
    tpu.enqueue_indirect_dma source(%dma_start3A_6 : memref<4097x4096xf32, #tpu.memory_space<hbm>>) target(%arg6 : memref<8x4096xf32, #tpu.memory_space<vmem>>) offsets(%dma_start3A_3 : memref<8xi32, #tpu.memory_space<vmem>>) semaphore(%arg8 : memref<!tpu.dma_semaphore, #tpu.memory_space<semaphore_mem>>)
    %scan3A = arith.constant 0 : i32
    %scan3A_7 = arith.constant 0 : i32
    %scan3A_8 = arith.constant 16 : i32
    %scan3A_9 = arith.addi %scan3A_7, %scan3A_8 : i32
    %scan3A_10 = arith.constant 1 : i32
    scf.for %scan3A_15 = %scan3A_7 to %scan3A_9 step %scan3A_10  : i32 {
      %mul3A_16 = arith.constant 2 : i32
      %mul3A_17 = arith.muli %scan3A_15, %mul3A_16 : i32
      %add3A_18 = arith.constant 0 : i32
      %add3A_19 = arith.addi %mul3A_17, %add3A_18 : i32
      %dma_wait3A_20 = arith.constant 0 : i32
      %dma_wait3A_21 = tpu.memref_slice %arg5[%dma_wait3A_20] : memref<256xi32, #tpu.memory_space<vmem>> -> memref<8xi32, #tpu.memory_space<vmem>>
      %dma_wait3A_22 = arith.constant 0 : i32
      %dma_wait3A_23 = arith.constant 0 : i32
      %dma_wait3A_24 = tpu.memref_slice %arg2[%dma_wait3A_22, %dma_wait3A_23] : memref<4097x4096xf32, #tpu.memory_space<hbm>> -> memref<4097x4096xf32, #tpu.memory_space<hbm>>
      tpu.wait_indirect_dma semaphore(%arg8 : memref<!tpu.dma_semaphore, #tpu.memory_space<semaphore_mem>>) src(%dma_wait3A_24 : memref<4097x4096xf32, #tpu.memory_space<hbm>>) dst(%arg6 : memref<8x4096xf32, #tpu.memory_space<vmem>>)
      %mul3A_25 = arith.constant 8 : i32
      %mul3A_26 = arith.muli %add3A_19, %mul3A_25 : i32
      %add3A_27 = arith.addi %mul3A_2, %mul3A_26 : i32
      %dma_start3A_28 = arith.constant 0 : i32
      %dma_start3A_29 = tpu.memref_slice %arg4[%add3A_27, %dma_start3A_28] : memref<8192x4096xf32, #tpu.memory_space<hbm>> -> memref<8x4096xf32, #tpu.memory_space<hbm>>
      %dma_start3A_30 = arith.constant 0 : i32
      %dma_start3A_31 = tpu.memref_slice %arg4[%add3A_27, %dma_start3A_30] : memref<8192x4096xf32, #tpu.memory_space<hbm>> -> memref<8x4096xf32, #tpu.memory_space<hbm>>
      tpu.enqueue_dma source(%arg6 : memref<8x4096xf32, #tpu.memory_space<vmem>>) target(%dma_start3A_31 : memref<8x4096xf32, #tpu.memory_space<hbm>>) target_semaphore(%arg10 : memref<!tpu.dma_semaphore, #tpu.memory_space<semaphore_mem>>)
      %ge3A = arith.constant 1 : i32
      %ge3A_32 = arith.cmpi sge, %scan3A_15, %ge3A : i32
      %convert_element_type3A = arith.extui %ge3A_32 : i1 to i32
      %cond3A = arith.constant 0 : i32
      %cond3A_33 = arith.cmpi ne, %convert_element_type3A, %cond3A : i32
      scf.if %cond3A_33 {
        %dma_wait3A_67 = arith.constant 0 : i32
        %dma_wait3A_68 = tpu.memref_slice %arg4[%mul3A_2, %dma_wait3A_67] : memref<8192x4096xf32, #tpu.memory_space<hbm>> -> memref<8x4096xf32, #tpu.memory_space<hbm>>
        %dma_wait3A_69 = arith.constant 0 : i32
        %dma_wait3A_70 = tpu.memref_slice %arg4[%mul3A_2, %dma_wait3A_69] : memref<8192x4096xf32, #tpu.memory_space<hbm>> -> memref<8x4096xf32, #tpu.memory_space<hbm>>
        tpu.wait_dma2 semaphore(%arg11 : memref<!tpu.dma_semaphore, #tpu.memory_space<semaphore_mem>>) src(%arg7 : memref<8x4096xf32, #tpu.memory_space<vmem>>) dst(%dma_wait3A_70 : memref<8x4096xf32, #tpu.memory_space<hbm>>)
      } else {
      }
      %add3A_34 = arith.constant 1 : i32
      %add3A_35 = arith.addi %add3A_19, %add3A_34 : i32
      %lt3A = arith.constant 32 : i32
      %lt3A_36 = arith.cmpi slt, %add3A_35, %lt3A : i32
      %convert_element_type3A_37 = arith.extui %lt3A_36 : i1 to i32
      %cond3A_38 = arith.constant 0 : i32
      %cond3A_39 = arith.cmpi ne, %convert_element_type3A_37, %cond3A_38 : i32
      scf.if %cond3A_39 {
        %add3A_67 = arith.constant 1 : i32
        %add3A_68 = arith.addi %add3A_19, %add3A_67 : i32
        %mul3A_69 = arith.constant 8 : i32
        %mul3A_70 = arith.muli %add3A_68, %mul3A_69 : i32
        %dma_start3A_71 = tpu.memref_slice %arg5[%mul3A_70] : memref<256xi32, #tpu.memory_space<vmem>> -> memref<8xi32, #tpu.memory_space<vmem>>
        %dma_start3A_72 = arith.constant 0 : i32
        %dma_start3A_73 = arith.constant 0 : i32
        %dma_start3A_74 = tpu.memref_slice %arg2[%dma_start3A_72, %dma_start3A_73] : memref<4097x4096xf32, #tpu.memory_space<hbm>> -> memref<4097x4096xf32, #tpu.memory_space<hbm>>
        tpu.enqueue_indirect_dma source(%dma_start3A_74 : memref<4097x4096xf32, #tpu.memory_space<hbm>>) target(%arg7 : memref<8x4096xf32, #tpu.memory_space<vmem>>) offsets(%dma_start3A_71 : memref<8xi32, #tpu.memory_space<vmem>>) semaphore(%arg9 : memref<!tpu.dma_semaphore, #tpu.memory_space<semaphore_mem>>)
      } else {
      }
      %mul3A_40 = arith.constant 2 : i32
      %mul3A_41 = arith.muli %scan3A_15, %mul3A_40 : i32
      %add3A_42 = arith.constant 1 : i32
      %add3A_43 = arith.addi %mul3A_41, %add3A_42 : i32
      %dma_wait3A_44 = arith.constant 0 : i32
      %dma_wait3A_45 = tpu.memref_slice %arg5[%dma_wait3A_44] : memref<256xi32, #tpu.memory_space<vmem>> -> memref<8xi32, #tpu.memory_space<vmem>>
      %dma_wait3A_46 = arith.constant 0 : i32
      %dma_wait3A_47 = arith.constant 0 : i32
      %dma_wait3A_48 = tpu.memref_slice %arg2[%dma_wait3A_46, %dma_wait3A_47] : memref<4097x4096xf32, #tpu.memory_space<hbm>> -> memref<4097x4096xf32, #tpu.memory_space<hbm>>
      tpu.wait_indirect_dma semaphore(%arg9 : memref<!tpu.dma_semaphore, #tpu.memory_space<semaphore_mem>>) src(%dma_wait3A_48 : memref<4097x4096xf32, #tpu.memory_space<hbm>>) dst(%arg7 : memref<8x4096xf32, #tpu.memory_space<vmem>>)
      %mul3A_49 = arith.constant 8 : i32
      %mul3A_50 = arith.muli %add3A_43, %mul3A_49 : i32
      %add3A_51 = arith.addi %mul3A_2, %mul3A_50 : i32
      %dma_start3A_52 = arith.constant 0 : i32
      %dma_start3A_53 = tpu.memref_slice %arg4[%add3A_51, %dma_start3A_52] : memref<8192x4096xf32, #tpu.memory_space<hbm>> -> memref<8x4096xf32, #tpu.memory_space<hbm>>
      %dma_start3A_54 = arith.constant 0 : i32
      %dma_start3A_55 = tpu.memref_slice %arg4[%add3A_51, %dma_start3A_54] : memref<8192x4096xf32, #tpu.memory_space<hbm>> -> memref<8x4096xf32, #tpu.memory_space<hbm>>
      tpu.enqueue_dma source(%arg7 : memref<8x4096xf32, #tpu.memory_space<vmem>>) target(%dma_start3A_55 : memref<8x4096xf32, #tpu.memory_space<hbm>>) target_semaphore(%arg11 : memref<!tpu.dma_semaphore, #tpu.memory_space<semaphore_mem>>)
      %dma_wait3A_56 = arith.constant 0 : i32
      %dma_wait3A_57 = tpu.memref_slice %arg4[%mul3A_2, %dma_wait3A_56] : memref<8192x4096xf32, #tpu.memory_space<hbm>> -> memref<8x4096xf32, #tpu.memory_space<hbm>>
      %dma_wait3A_58 = arith.constant 0 : i32
      %dma_wait3A_59 = tpu.memref_slice %arg4[%mul3A_2, %dma_wait3A_58] : memref<8192x4096xf32, #tpu.memory_space<hbm>> -> memref<8x4096xf32, #tpu.memory_space<hbm>>
      tpu.wait_dma2 semaphore(%arg10 : memref<!tpu.dma_semaphore, #tpu.memory_space<semaphore_mem>>) src(%arg6 : memref<8x4096xf32, #tpu.memory_space<vmem>>) dst(%dma_wait3A_59 : memref<8x4096xf32, #tpu.memory_space<hbm>>)
      %add3A_60 = arith.constant 1 : i32
      %add3A_61 = arith.addi %add3A_43, %add3A_60 : i32
      %lt3A_62 = arith.constant 32 : i32
      %lt3A_63 = arith.cmpi slt, %add3A_61, %lt3A_62 : i32
      %convert_element_type3A_64 = arith.extui %lt3A_63 : i1 to i32
      %cond3A_65 = arith.constant 0 : i32
      %cond3A_66 = arith.cmpi ne, %convert_element_type3A_64, %cond3A_65 : i32
      scf.if %cond3A_66 {
        %add3A_67 = arith.constant 1 : i32
        %add3A_68 = arith.addi %add3A_43, %add3A_67 : i32
        %mul3A_69 = arith.constant 8 : i32
        %mul3A_70 = arith.muli %add3A_68, %mul3A_69 : i32
        %dma_start3A_71 = tpu.memref_slice %arg5[%mul3A_70] : memref<256xi32, #tpu.memory_space<vmem>> -> memref<8xi32, #tpu.memory_space<vmem>>
        %dma_start3A_72 = arith.constant 0 : i32
        %dma_start3A_73 = arith.constant 0 : i32
        %dma_start3A_74 = tpu.memref_slice %arg2[%dma_start3A_72, %dma_start3A_73] : memref<4097x4096xf32, #tpu.memory_space<hbm>> -> memref<4097x4096xf32, #tpu.memory_space<hbm>>
        tpu.enqueue_indirect_dma source(%dma_start3A_74 : memref<4097x4096xf32, #tpu.memory_space<hbm>>) target(%arg6 : memref<8x4096xf32, #tpu.memory_space<vmem>>) offsets(%dma_start3A_71 : memref<8xi32, #tpu.memory_space<vmem>>) semaphore(%arg8 : memref<!tpu.dma_semaphore, #tpu.memory_space<semaphore_mem>>)
      } else {
      }
    }
    %scan3A_11 = arith.constant 16 : i32
    %dma_wait3A = arith.constant 0 : i32
    %dma_wait3A_12 = tpu.memref_slice %arg4[%mul3A_2, %dma_wait3A] : memref<8192x4096xf32, #tpu.memory_space<hbm>> -> memref<8x4096xf32, #tpu.memory_space<hbm>>
    %dma_wait3A_13 = arith.constant 0 : i32
    %dma_wait3A_14 = tpu.memref_slice %arg4[%mul3A_2, %dma_wait3A_13] : memref<8192x4096xf32, #tpu.memory_space<hbm>> -> memref<8x4096xf32, #tpu.memory_space<hbm>>
    tpu.wait_dma2 semaphore(%arg11 : memref<!tpu.dma_semaphore, #tpu.memory_space<semaphore_mem>>) src(%arg7 : memref<8x4096xf32, #tpu.memory_space<vmem>>) dst(%dma_wait3A_14 : memref<8x4096xf32, #tpu.memory_space<hbm>>)
    return
  }
}

</mosaic_0001>

<sc_bundles>
// kernel: kernel.3.cloned.1.call-start
scs
__scs_entry_jumppad:
0x0: {  	(pc) =	sbr.rel $0x88, $3  }
0x1: {  	(tag) =	ssettag $0x0;
	lr =	simm.s32 $0x1  }
0x2: {  	[smem:$0x3F9F] =	sst lr;
	_ =	strace $0xD0000000  }
0x3: {  	_ = 	snop  }
0x4: {  	_ = 	snop  }
0x5: {  	_ = 	snop  }
0x6: {  	_ = 	snop  }
0x7: {  	_ = 	snop  }
__scs_overlays_trampoline_lowered:
0x8: {  	[smem:$0x3FAE] =	sst s0  }
0x9: {  	[smem:$0x3FAF] =	sst s1  }
0xa: {  	[smem:$0x3FB0] =	sst s2  }
0xb: {  	[smem:$0x3FB1] =	sst s3  }
0xc: {  	[smem:$0x3FB2] =	sst s4  }
0xd: {  	[smem:$0x3FB3] =	sst s5  }
0xe: {  	[smem:$0x3FB4] =	sst s6  }
0xf: {  	[smem:$0x3FB5] =	sst s7  }
0x10: {  	[smem:$0x3FB6] =	sst s8  }
0x11: {  	[smem:$0x3FB7] =	sst s9;
	s0 =	simm.s32 @!p0 $0x0  }
0x12: {  	s1 =	sld [smem:$0x3F9D];
	s0 =	simm.s32 @p0 $0x1  }
0x13: {  	[smem:$0x3FB8] =	sst s0;
	s0 =	simm.s32 @!p1 $0x0  }
0x14: {  	s2 =	sld [smem:$0x3F9C];
	s0 =	simm.s32 @p1 $0x1  }
0x15: {  	[smem:$0x3FB9] =	sst s0;
	s0 =	simm.s32 @!p2 $0x0  }
0x16: {  	s3 =	sld [smem:$0x3FDB];
	s0 =	simm.s32 @p2 $0x1  }
0x17: {  	s4 =	simm.s32 $0x1BF5;
	[smem:$0x3FBB] =	sst s0  }
0x18: {  	s0 =	sld [smem:$0x3F9E];
	_ =	swait.ge [sflag:s4], $0x0  }
0x19: {  	s7 =	sld [smem:$0x3F9F]  }
0x1a: {  	s8 =	sadd.s32 $0xFFFFE003, lr  }
0x1b: {  	s9 =	sadd.s32 $0xFFFFFEF7, lr;
	s5 =	simm.s32 $0xFFFFFFFF;
	p2 =	slt.u32 s8, $0xFFFFF086  }
0x1c: {  	p1 =	slt.u32 s9, $0xF7A;
	s5 =	simm.s32 @!p2 $0x0  }
0x1d: {  	s5 =	simm.s32 @p1 $0x1;
	p0 =	seq.s32 s7, s2  }
0x1e: {  	s7 =	smul.u32 @!p0 $0xF7A, s2;
	p2 =	seq.s32 @!p0 s5, $0x0  }
0x1f: {  	s9 =	smul.u32 $0xF7A, s1;
	s8 =	simm.s32 @!p0 $0x1BF5;
	p2 =	por !p2, p0  }
0x20: {  	[sflag:s8] =	ssyncset.s32 @!p0 $0xFFFFF086;
	s6 =	sadd.s32 @!p0 s3, s7;
	s7 =	simm.s32 @!p0 $0x108  }
0x21: {  	s3 =	sadd.s32 s3, s9;
	s6 =	sadd.s32 @!p0 $0x88, s6;
	s7 =	simm.s32 @p2 $0x1082  }
0x22: {  	[simem:s7], [sflag:s8] =	dma.local @!p0 [hbm:s6], $0xF7A  }
0x23: {  	s9 =	sor.u32 $0xD0000000, s2;
	s6 =	simm.s32 $0x108;
	_ =	swait.ge @!p0 [sflag:s8], $0x0  }
0x24: {  	s3 =	sadd.s32 $0x88, s3;
	s6 =	simm.s32 @!p1 $0x1082;
	[sflag:s4] =	ssyncset.s32 $0xFFFFF086  }
0x25: {  	[simem:s6], [sflag:s4] =	dma.local [hbm:s3], $0xF7A  }
0x26: {  	[smem:$0x3F9F] =	sst s1;
	(tag) =	ssettag s2;
	_ =	strace s9  }
0x27: {  	s1 =	sld [smem:$0x3FAF]  }
0x28: {  	s2 =	sld [smem:$0x3FB0]  }
0x29: {  	s4 =	sld [smem:$0x3FB2]  }
0x2a: {  	p0 =	seq.s32 s5, $0x0;
	s5 =	sld [smem:$0x3FB3]  }
0x2b: {  	s6 =	sld [smem:$0x3FB4]  }
0x2c: {  	s7 =	sld [smem:$0x3FB5]  }
0x2d: {  	s3 =	simm.s32 $0x108;
	s8 =	sld [smem:$0x3FB6]  }
0x2e: {  	s3 =	simm.s32 @!p0 $0x1082;
	s9 =	sld [smem:$0x3FB7]  }
0x2f: {  	lr =	sadd.s32 s0, s3;
	s0 =	sld [smem:$0x3FAE]  }
0x30: {  	s3 =	sld [smem:$0x3FB1]  }
0x31: {  	[smem:$0x3FBA] =	sst s10  }
0x32: {  	s10 =	sld [smem:$0x3FB8];
	_ =	sdelay $0x3  }
0x33: {  	p0 =	seq.s32 s10, $0x1;
	s10 =	sld [smem:$0x3FBA];
	_ =	sdelay $0x3  }
0x34: {  	[smem:$0x3FBA] =	sst s10  }
0x35: {  	s10 =	sld [smem:$0x3FB9];
	_ =	sdelay $0x3  }
0x36: {  	p1 =	seq.s32 s10, $0x1;
	s10 =	sld [smem:$0x3FBA];
	_ =	sdelay $0x3  }
0x37: {  	[smem:$0x3FBA] =	sst s10  }
0x38: {  	s10 =	sld [smem:$0x3FBB]  }
0x39: {  	_ = 	snop;
	(pc) =	sbr.ind lr, $3  }
0x3a: {  	_ = 	snop  }
0x3b: {  	_ = 	snop  }
0x3c: {  	p2 =	seq.s32 s10, $0x1;
	s10 =	sld [smem:$0x3FBA]  }
0x3d: {  	_ =	shalt  }
0x3e: {  	_ =	shalt  }
0x3f: {  	_ =	shalt  }
0x40: {  	_ =	shalt  }
0x41: {  	_ =	shalt  }
0x42: {  	_ =	shalt  }
0x43: {  	_ =	shalt  }
0x44: {  	_ =	shalt  }
0x45: {  	_ =	shalt  }
0x46: {  	_ =	shalt  }
0x47: {  	_ =	shalt  }
0x48: {  	_ =	shalt  }
0x49: {  	_ =	shalt  }
0x4a: {  	_ =	shalt  }
0x4b: {  	_ =	shalt  }
0x4c: {  	_ =	shalt  }
0x4d: {  	_ =	shalt  }
0x4e: {  	_ =	shalt  }
0x4f: {  	_ =	shalt  }
0x50: {  	_ =	shalt  }
0x51: {  	_ =	shalt  }
0x52: {  	_ =	shalt  }
0x53: {  	_ =	shalt  }
0x54: {  	_ =	shalt  }
0x55: {  	_ =	shalt  }
0x56: {  	_ =	shalt  }
0x57: {  	_ =	shalt  }
0x58: {  	_ =	shalt  }
0x59: {  	_ =	shalt  }
0x5a: {  	_ =	shalt  }
0x5b: {  	_ =	shalt  }
0x5c: {  	_ =	shalt  }
0x5d: {  	_ =	shalt  }
0x5e: {  	_ =	shalt  }
0x5f: {  	_ =	shalt  }
0x60: {  	_ =	shalt  }
0x61: {  	_ =	shalt  }
0x62: {  	_ =	shalt  }
0x63: {  	_ =	shalt  }
0x64: {  	_ =	shalt  }
0x65: {  	_ =	shalt  }
0x66: {  	_ =	shalt  }
0x67: {  	_ =	shalt  }
0x68: {  	_ =	shalt  }
0x69: {  	_ =	shalt  }
0x6a: {  	_ =	shalt  }
0x6b: {  	_ =	shalt  }
0x6c: {  	_ =	shalt  }
0x6d: {  	_ =	shalt  }
0x6e: {  	_ =	shalt  }
0x6f: {  	_ =	shalt  }
0x70: {  	_ =	shalt  }
0x71: {  	_ =	shalt  }
0x72: {  	_ =	shalt  }
0x73: {  	_ =	shalt  }
0x74: {  	_ =	shalt  }
0x75: {  	_ =	shalt  }
0x76: {  	_ =	shalt  }
0x77: {  	_ =	shalt  }
0x78: {  	_ =	shalt  }
0x79: {  	_ =	shalt  }
0x7a: {  	_ =	shalt  }
0x7b: {  	_ =	shalt  }
0x7c: {  	_ =	shalt  }
0x7d: {  	_ =	shalt  }
0x7e: {  	_ =	shalt  }
0x7f: {  	_ =	shalt  }
0x80: {  	_ =	shalt  }
0x81: {  	_ =	shalt  }
0x82: {  	_ =	shalt  }
0x83: {  	_ =	shalt  }
0x84: {  	_ =	shalt  }
0x85: {  	_ =	shalt  }
0x86: {  	_ =	shalt  }
0x87: {  	_ =	shalt  }
.Lfunc_end0:
.L_simem_size_0:
called_computation.1_lowered:
.L_overlay_start_0:
0x88: {  	s2 =	sld [smem:$0x3FD9]  }
0x89: {  	s3 =	sld [smem:$0x3FFE];
	_ =	sdelay $0x1  }
0x8a: {  	s1 =	srdreg.scid  }
0x8b: {  	s0 =	sand.u32 $0x1, s1  }
0x8c: {  	s17 =	sshll.u32 s0, $0xA;
	s2 =	sadd.s32 s3, s2  }
0x8d: {  	s2 =	sadd.s32 s2, s17  }
0x8e: {  	[smem:$0x3FC6] =	sst s2  }
0x8f: {  	_ = 	snop  }
0x90: {  	s2 =	sld [smem:$0x3FD0];
	(tm) =	ssettm $0x1  }
0x91: {  	s18 =	sld [smem:$0x3FFB];
	_ =	sdelay $0x3  }
0x92: {  	_ =	strace s18  }
0x93: {  	s3 =	sld [smem:$0x3FFC];
	_ =	sdelay $0x3  }
0x94: {  	_ =	strace s3  }
0x95: {  	s3 =	sld [smem:$0x3FFD];
	_ =	sdelay $0x3  }
0x96: {  	_ =	strace s3  }
0x97: {  	_ =	strace $0x8FFFFFFF  }
0x98: {  	s19 =	sld [smem:$0x3FDB];
	_ =	sdelay $0x1  }
0x99: {  	s4 =	simm.s32 $_scs_section_size  }
0x9a: {  	s5 =	simm.s32 $_size__tile_overlayer_lowered;
	s6 =	simm.s32 $_tile_overlayer_lowered  }
0x9b: {  	s22 =	simm.s32 $0x1BFF;
	s21 =	sshll.u32 s6, $0x1;
	s3 =	sadd.s32 s4, s19  }
0x9c: {  	s7 =	simm.s32 $0x0;
	s20 =	sshll.u32 s5, $0x1;
	s5 =	sadd.s32 s21, s3  }
0x9d: {  	[timem:s7], [sflag:s22] =	dma.local [hbm:s5], s20  }
0x9e: {  	_ =	swait.ge [sflag:s22], s20  }
0x9f: {  	s4 =	ssub.s32 $0x0, s20;
	[sflag:s22] =	ssyncset.done $0x0  }
0xa0: {  	[sflag:s22] =	ssyncadd.s32 s4;
	_ =	sdelay $0x1  }
0xa1: {  	s23 =	simm.s32 $0x1B8B  }
0xa2: {  	_ =	swait.ge [sflag:s23], $0x1  }
0xa3: {  	[sflag:s23] =	ssyncset.done $0x0  }
0xa4: {  	s25 =	simm.s32 $0x1B8E;
	s24 =	sld [smem:$0x3FFE];
	[sflag:s23] =	ssyncadd.s32 $0xFFFFFFFF  }
0xa5: {  	s26 =	simm.s32 $execute0_lowered;
	[smem:$0x3FD2] =	sst s25  }
0xa6: {  	s5 =	sshll.u32 s26, $0x1;
	_ =	strace $0x80000046;
	[dreg:$0x1] =	wrdreg $0xFFFFFFFF  }
0xa7: {  	s28 =	simm.s32 $_size_execute0_lowered;
	s3 =	sadd.s32 s3, s5;
	[dreg:$0x0] =	wrdreg $0x0  }
0xa8: {  	s5 =	sshll.u32 s28, $0x1;
	[dreg:$0x2] =	wrdreg s3  }
0xa9: {  	[dreg:$0x3] =	wrdreg s5  }
0xaa: {  	[dreg:$0x4] =	wrdreg $0xC0  }
0xab: {  	_ =	task [dreg:s7], $0x5FFFF  }
0xac: {  	[dreg:$0x1] =	wrdreg $0xFFFFFFFF  }
0xad: {  	[dreg:$0x0] =	wrdreg $0x60  }
0xae: {  	[dreg:$0x2] =	wrdreg s24  }
0xaf: {  	[dreg:$0x3] =	wrdreg s2  }
0xb0: {  	[dreg:$0x4] =	wrdreg $0x9  }
0xb1: {  	_ =	task.clear_ibuf [dreg:s7], $0x5FFFF;
	_ =	strace $0x90000046  }
0xb2: {  	s29 =	simm.s32 $0x9;
	_ =	strace $0x80000048  }
0xb3: {  	_ =	swait.ge [sflag:s29], $0x1  }
0xb4: {  	[sflag:s29] =	ssyncadd.s32 $0xFFFFFFFF  }
0xb5: {  	_ =	strace $0x90000048  }
0xb6: {  	_ =	sfence  }
0xb7: {  	s30 =	sld [smem:$0x0];
	_ =	sdelay $0x2  }
0xb8: {  	s31 =	sshll.u32 s1, $0xD;
	s1 =	sshrl.u32 s1, $0x2  }
0xb9: {  	s3 =	sand.u32 $0x4000, s31;
	s1 =	sadd.s32 s1, s30  }
0xba: {  	s0 =	sor.u32 s3, s0;
	s1 =	sshll.u32 s1, $0x11  }
0xbb: {  	s0 =	sor.u32 s1, s0  }
0xbc: {  	s0 =	sadd.s32 $0x8F2B, s0  }
0xbd: {  	[sflag:s0] =	ssyncadd.remote.s32 $0x1  }
0xbe: {  	_ =	sfence.sel $0xFFFF  }
0xbf: {  	[dreg:$0x0] =	wrdreg $0xFFFFFFFF;
	(pc) =	sbr.abs _section_cstart, $3  }
0xc0: {  	[dreg:$0x1] =	wrdreg $0xFFFFFFFF  }
0xc1: {  	_ =	task.clear_ibuf [dreg:s7], $0x2FFFF;
	_ =	strace $0x9FFFFFFF  }
0xc2: {  	(tm) =	ssettm $0x7FFFFFFF  }
0xc3: {  	_ =	shalt  }
tec
execute0_lowered:
.L_overlay_start_1:
0x0: {  	(tag) =	ssettag $0x1  }
0x1: {  	s0 =	rddreg [dreg:$0x0]  }
0x2: {  	s1 =	rddreg [dreg:$0x1];
	s2 =	srdreg.scid  }
0x3: {  	s22 =	stileid.u32;
	s24 =	simm.s32 $0x100;
	s30 =	simm.s32 $0x1  }
0x4: {  	s31 =	simm.s32 $0x8100;
	s23 =	simm.s32 $0xF100;
	s28 =	simm.s32 $0x3  }
0x5: {  	s29 =	simm.s32 $0x0;
	s4 =	sand.u32 $0x1, s2;
	s2 =	simm.s32 $0x0  }
0x6: {  	s3 =	sshll.u32 s22, $0x9;
	s8 =	sadd.s32 $0x1000, s0;
	s9 =	sadd.s32 $0x1100, s0  }
0x7: {  	s10 =	sadd.s32 $0x1200, s0;
	s11 =	sadd.s32 $0x1300, s0;
	s12 =	sadd.s32 $0x1400, s0  }
0x8: {  	s13 =	sadd.s32 $0x1500, s0;
	s14 =	sadd.s32 $0x1600, s0;
	s15 =	sadd.s32 $0x1700, s0  }
0x9: {  	s16 =	sadd.s32 $0x1800, s0;
	s17 =	sadd.s32 $0x1900, s0;
	s18 =	sadd.s32 $0x1A00, s0  }
0xa: {  	s19 =	sadd.s32 $0x1B00, s0;
	s25 =	sshll.u32 s22, $0x12;
	s5 =	sshll.u32 s4, $0x8  }
0xb: {  	[smem:$0x7FF] =	sst s2;
	s6 =	ssub.s32 $0x2, s4;
	s4 =	sshll.u32 s4, $0x11  }
0xc: {  	s20 =	sor.u32 s5, s3;
	_ =	strace $0x80000047;
	s7 =	sshrl.u32 s6, $0x1  }
0xd: {  	s3 =	sadd.s32 $0xC00, s0;
	s5 =	sshrl.u32 s20, $0x3;
	s21 =	ssub.s32 s6, s7  }
0xe: {  	s6 =	sadd.s32 $0xE00, s0;
	s7 =	sadd.s32 $0xF00, s0;
	s20 =	sshll.u32 s20, $0x9  }
.Ltmp0:
0xf: {  	s5 =	sadd.s32 s5, s0;
	s21 =	smax.u32 s21, $0x1;
	(pc) =	sbr.rel .LBB2_1-.Ltmp0, $4  }
0x10: {  	s26 =	sadd.s32 s20, s1;
	s20 =	simm.s32 $0xE900;
	s5 =	sadd.s32 $0x800, s5  }
0x11: {  	v0 =	vlaneseq.u32;
	[dreg:$0x4] =	wrdreg s21;
	s22 =	sadd.s32 $0x1000, s26;
	s26 =	simm.s32 $0x2  }
0x12: {  	v1 =	vshrl.u32 v0, $0x3;
	[dreg:$0x3] =	wrdreg s5;
	s5 =	sadd.s32 $0xD00, s0;
	s0 =	sadd.s32 s25, s1  }
0x13: {  	vm0 =	vmmov $0xffff;
	v0 =	vand.u32 $0x7, v0;
	v1 =	vmul.u32 $0x8, v1;
	s25 =	simm.s32 $0xF900;
	s21 =	sadd.s32 s4, s0;
	s4 =	simm.s32 $0xE100  }
.LBB2_4:
0x14: {  	s1 =	simm.s32 $0x4  }
0x15: {  	_ =	swait.ge [sflag:s1], $0x8000  }
0x16: {  	s29 =	rddreg [dreg:$0x5]  }
0x17: {  	s0 =	rddreg [dreg:$0x4];
	s29 =	sadd.s32 $0x1, s29  }
0x18: {  	p0 =	sne.s32 s29, s0  }
.Ltmp1:
0x19: {  	_ = 	snop;
	(pc) =	sbr.rel @!p0 .LBB2_5-.Ltmp1, $3  }
0x1a: {  	_ =	sdelay $0x1  }
0x1b: {  	[sflag:s1] =	ssyncset.done $0x0  }
0x1c: {  	[sflag:s1] =	ssyncadd.s32 $0xFFFF8000  }
.LBB2_1:
0x1d: {  	[dreg:$0x5] =	wrdreg s29  }
0x1e: {  	s0 =	rddreg [dreg:$0x3];
	s1 =	simm.s32 $0x5  }
0x1f: {  	[tilespmem:s2], [sflag:$0x5] =	stream.linear.gather [hbm4b:s0+s2], $0x100, $0x38;
	[tilespmem:$0x10100] =	vst v63  }
0x20: {  	_ =	swait.ge [sflag:s1], $0x100  }
0x21: {  	[sflag:s1] =	ssyncset.done $0x0  }
0x22: {  	[sflag:s1] =	ssyncadd.s32 $0xFFFFFF00  }
0x23: {  	v2 =	vld.msk [tilespmem:$0x0], $0xff;
	_ =	sdelay $0x4  }
0x24: {  	v3 =	vshll.u32 v2, $0x5  }
0x25: {  	v2 =	vand.u32 $0x7, v2;
	v3 =	vand.u32 $0xFFFFFF00, v3  }
0x26: {  	v2 =	vor.u32 v2, v3  }
0x27: {  	v2 =	vperm.xlane v2, v0;
	_ =	sdelay $0x1  }
0x28: {  	v2 =	vadd.s32 v1, v2;
	_ =	sdelay $0x4  }
0x29: {  	[tilespmem:s24], [sflag:$0x1] =	stream.indirect_vreg.gather [hbm4b:s3+s2], $0x80, v2, vm0, $0xb8;
	[tilespmem:$0x10100] =	vst v63  }
0x2a: {  	s1 =	simm.s32 $0x900  }
0x2b: {  	[tilespmem:s1], [sflag:$0x1] =	stream.indirect_vreg.gather [hbm4b:s5+s2], $0x80, v2, vm0, $0xb8;
	[tilespmem:$0x10100] =	vst v63  }
0x2c: {  	s1 =	simm.s32 $0x1100  }
0x2d: {  	[tilespmem:s1], [sflag:$0x1] =	stream.indirect_vreg.gather [hbm4b:s6+s2], $0x80, v2, vm0, $0xb8;
	[tilespmem:$0x10100] =	vst v63  }
0x2e: {  	s1 =	simm.s32 $0x1900  }
0x2f: {  	[tilespmem:s1], [sflag:$0x1] =	stream.indirect_vreg.gather [hbm4b:s7+s2], $0x80, v2, vm0, $0xb8;
	[tilespmem:$0x10100] =	vst v63  }
0x30: {  	s1 =	simm.s32 $0x2100  }
0x31: {  	[tilespmem:s1], [sflag:$0x1] =	stream.indirect_vreg.gather [hbm4b:s8+s2], $0x80, v2, vm0, $0xb8;
	[tilespmem:$0x10100] =	vst v63  }
0x32: {  	s1 =	simm.s32 $0x2900  }
0x33: {  	[tilespmem:s1], [sflag:$0x1] =	stream.indirect_vreg.gather [hbm4b:s9+s2], $0x80, v2, vm0, $0xb8;
	[tilespmem:$0x10100] =	vst v63  }
0x34: {  	s1 =	simm.s32 $0x3100  }
0x35: {  	[tilespmem:s1], [sflag:$0x1] =	stream.indirect_vreg.gather [hbm4b:s10+s2], $0x80, v2, vm0, $0xb8;
	[tilespmem:$0x10100] =	vst v63  }
0x36: {  	s1 =	simm.s32 $0x3900  }
0x37: {  	[tilespmem:s1], [sflag:$0x1] =	stream.indirect_vreg.gather [hbm4b:s11+s2], $0x80, v2, vm0, $0xb8;
	[tilespmem:$0x10100] =	vst v63  }
0x38: {  	s1 =	simm.s32 $0x4100  }
0x39: {  	[tilespmem:s1], [sflag:$0x1] =	stream.indirect_vreg.gather [hbm4b:s12+s2], $0x80, v2, vm0, $0xb8;
	[tilespmem:$0x10100] =	vst v63  }
0x3a: {  	s1 =	simm.s32 $0x4900  }
0x3b: {  	[tilespmem:s1], [sflag:$0x1] =	stream.indirect_vreg.gather [hbm4b:s13+s2], $0x80, v2, vm0, $0xb8;
	[tilespmem:$0x10100] =	vst v63  }
0x3c: {  	s1 =	simm.s32 $0x5100  }
0x3d: {  	[tilespmem:s1], [sflag:$0x1] =	stream.indirect_vreg.gather [hbm4b:s14+s2], $0x80, v2, vm0, $0xb8;
	[tilespmem:$0x10100] =	vst v63  }
0x3e: {  	s1 =	simm.s32 $0x5900  }
0x3f: {  	[tilespmem:s1], [sflag:$0x1] =	stream.indirect_vreg.gather [hbm4b:s15+s2], $0x80, v2, vm0, $0xb8;
	[tilespmem:$0x10100] =	vst v63  }
0x40: {  	s1 =	simm.s32 $0x6100  }
0x41: {  	[tilespmem:s1], [sflag:$0x1] =	stream.indirect_vreg.gather [hbm4b:s16+s2], $0x80, v2, vm0, $0xb8;
	[tilespmem:$0x10100] =	vst v63  }
0x42: {  	s1 =	simm.s32 $0x6900  }
0x43: {  	[tilespmem:s1], [sflag:$0x1] =	stream.indirect_vreg.gather [hbm4b:s17+s2], $0x80, v2, vm0, $0xb8;
	[tilespmem:$0x10100] =	vst v63  }
0x44: {  	s1 =	simm.s32 $0x7100  }
0x45: {  	[tilespmem:s1], [sflag:$0x1] =	stream.indirect_vreg.gather [hbm4b:s18+s2], $0x80, v2, vm0, $0xb8;
	[tilespmem:$0x10100] =	vst v63  }
0x46: {  	s29 =	simm.s32 $0x10;
	s0 =	simm.s32 $0x0;
	s1 =	simm.s32 $0x7900  }
0x47: {  	[tilespmem:s1], [sflag:$0x1] =	stream.indirect_vreg.gather [hbm4b:s19+s2], $0x80, v2, vm0, $0xb8;
	[tilespmem:$0x10100] =	vst v63  }
.LBB2_2:
0x48: {  	_ =	swait.ge [sflag:s30], $0x8000  }
0x49: {  	[sflag:s30] =	ssyncset.done $0x0  }
0x4a: {  	s1 =	sadd.s32 s0, s21;
	p0 =	seq.s32 s0, $0x0;
	[sflag:s30] =	ssyncadd.s32 $0xFFFF8000  }
0x4b: {  	[hbm4b:s1+s2] =	stream.linear.scatter [tilespmem:s24], [sflag:$0x3], $0x8000, $0x38;
	[tilespmem:$0x10100] =	vst v63  }
0x4c: {  	s1 =	simm.s32 @!p0 $0x4  }
0x4d: {  	_ =	swait.ge @!p0 [sflag:s1], $0x8000  }
0x4e: {  	[sflag:s1] =	ssyncset.done @!p0 $0x0  }
0x4f: {  	[sflag:s1] =	ssyncadd.s32 @!p0 $0xFFFF8000  }
0x50: {  	v2 =	vld.msk [tilespmem:s29+$0xFFFFFFF8], $0xff;
	_ =	sdelay $0x4  }
0x51: {  	v3 =	vshll.u32 v2, $0x5  }
0x52: {  	v2 =	vand.u32 $0x7, v2;
	v3 =	vand.u32 $0xFFFFFF00, v3  }
0x53: {  	v2 =	vor.u32 v2, v3  }
0x54: {  	v2 =	vperm.xlane v2, v0;
	_ =	sdelay $0x1  }
0x55: {  	v2 =	vadd.s32 v1, v2;
	_ =	sdelay $0x4  }
0x56: {  	[tilespmem:s31], [sflag:$0x2] =	stream.indirect_vreg.gather [hbm4b:s3+s2], $0x80, v2, vm0, $0xb8;
	[tilespmem:$0x10100] =	vst v63  }
0x57: {  	s1 =	simm.s32 $0x8900  }
0x58: {  	[tilespmem:s1], [sflag:$0x2] =	stream.indirect_vreg.gather [hbm4b:s5+s2], $0x80, v2, vm0, $0xb8;
	[tilespmem:$0x10100] =	vst v63  }
0x59: {  	s1 =	simm.s32 $0x9100  }
0x5a: {  	[tilespmem:s1], [sflag:$0x2] =	stream.indirect_vreg.gather [hbm4b:s6+s2], $0x80, v2, vm0, $0xb8;
	[tilespmem:$0x10100] =	vst v63  }
0x5b: {  	s1 =	simm.s32 $0x9900  }
0x5c: {  	[tilespmem:s1], [sflag:$0x2] =	stream.indirect_vreg.gather [hbm4b:s7+s2], $0x80, v2, vm0, $0xb8;
	[tilespmem:$0x10100] =	vst v63  }
0x5d: {  	s1 =	simm.s32 $0xA100  }
0x5e: {  	[tilespmem:s1], [sflag:$0x2] =	stream.indirect_vreg.gather [hbm4b:s8+s2], $0x80, v2, vm0, $0xb8;
	[tilespmem:$0x10100] =	vst v63  }
0x5f: {  	s1 =	simm.s32 $0xA900  }
0x60: {  	[tilespmem:s1], [sflag:$0x2] =	stream.indirect_vreg.gather [hbm4b:s9+s2], $0x80, v2, vm0, $0xb8;
	[tilespmem:$0x10100] =	vst v63  }
0x61: {  	s1 =	simm.s32 $0xB100  }
0x62: {  	[tilespmem:s1], [sflag:$0x2] =	stream.indirect_vreg.gather [hbm4b:s10+s2], $0x80, v2, vm0, $0xb8;
	[tilespmem:$0x10100] =	vst v63  }
0x63: {  	s1 =	simm.s32 $0xB900  }
0x64: {  	[tilespmem:s1], [sflag:$0x2] =	stream.indirect_vreg.gather [hbm4b:s11+s2], $0x80, v2, vm0, $0xb8;
	[tilespmem:$0x10100] =	vst v63  }
0x65: {  	s1 =	simm.s32 $0xC100  }
0x66: {  	[tilespmem:s1], [sflag:$0x2] =	stream.indirect_vreg.gather [hbm4b:s12+s2], $0x80, v2, vm0, $0xb8;
	[tilespmem:$0x10100] =	vst v63  }
0x67: {  	s1 =	simm.s32 $0xC900  }
0x68: {  	[tilespmem:s1], [sflag:$0x2] =	stream.indirect_vreg.gather [hbm4b:s13+s2], $0x80, v2, vm0, $0xb8;
	[tilespmem:$0x10100] =	vst v63  }
0x69: {  	s1 =	simm.s32 $0xD100  }
0x6a: {  	[tilespmem:s1], [sflag:$0x2] =	stream.indirect_vreg.gather [hbm4b:s14+s2], $0x80, v2, vm0, $0xb8;
	[tilespmem:$0x10100] =	vst v63  }
0x6b: {  	s1 =	simm.s32 $0xD900  }
0x6c: {  	[tilespmem:s1], [sflag:$0x2] =	stream.indirect_vreg.gather [hbm4b:s15+s2], $0x80, v2, vm0, $0xb8;
	[tilespmem:$0x10100] =	vst v63  }
0x6d: {  	_ = 	snop  }
0x6e: {  	[tilespmem:s4], [sflag:$0x2] =	stream.indirect_vreg.gather [hbm4b:s16+s2], $0x80, v2, vm0, $0xb8;
	[tilespmem:$0x10100] =	vst v63  }
0x6f: {  	_ = 	snop  }
0x70: {  	[tilespmem:s20], [sflag:$0x2] =	stream.indirect_vreg.gather [hbm4b:s17+s2], $0x80, v2, vm0, $0xb8;
	[tilespmem:$0x10100] =	vst v63  }
0x71: {  	_ = 	snop  }
0x72: {  	[tilespmem:s23], [sflag:$0x2] =	stream.indirect_vreg.gather [hbm4b:s18+s2], $0x80, v2, vm0, $0xb8;
	[tilespmem:$0x10100] =	vst v63  }
0x73: {  	_ = 	snop  }
0x74: {  	[tilespmem:s25], [sflag:$0x2] =	stream.indirect_vreg.gather [hbm4b:s19+s2], $0x80, v2, vm0, $0xb8;
	[tilespmem:$0x10100] =	vst v63  }
0x75: {  	_ =	swait.ge [sflag:s26], $0x8000  }
0x76: {  	p0 =	seq.s32 s0, $0x1E000;
	[sflag:s26] =	ssyncset.done $0x0  }
.Ltmp2:
0x77: {  	s1 =	sadd.s32 s0, s22;
	[sflag:s26] =	ssyncadd.s32 $0xFFFF8000;
	(pc) =	sbr.rel @p0 .LBB2_4-.Ltmp2, $4  }
0x78: {  	[hbm4b:s1+s2] =	stream.linear.scatter [tilespmem:s31], [sflag:$0x4], $0x8000, $0x38;
	[tilespmem:$0x10100] =	vst v63  }
0x79: {  	_ =	swait.ge [sflag:s28], $0x8000  }
0x7a: {  	[sflag:s28] =	ssyncset.done $0x0  }
0x7b: {  	[sflag:s28] =	ssyncadd.s32 $0xFFFF8000  }
0x7c: {  	v2 =	vld.msk [tilespmem:s29+$0x0], $0xff;
	_ =	sdelay $0x4  }
0x7d: {  	v3 =	vshll.u32 v2, $0x5  }
0x7e: {  	v2 =	vand.u32 $0x7, v2;
	v3 =	vand.u32 $0xFFFFFF00, v3  }
0x7f: {  	v2 =	vor.u32 v2, v3  }
0x80: {  	v2 =	vperm.xlane v2, v0;
	_ =	sdelay $0x1  }
0x81: {  	v2 =	vadd.s32 v1, v2;
	_ =	sdelay $0x4  }
0x82: {  	[tilespmem:s24], [sflag:$0x1] =	stream.indirect_vreg.gather [hbm4b:s3+s2], $0x80, v2, vm0, $0xb8;
	[tilespmem:$0x10100] =	vst v63  }
0x83: {  	s1 =	simm.s32 $0x900  }
0x84: {  	[tilespmem:s1], [sflag:$0x1] =	stream.indirect_vreg.gather [hbm4b:s5+s2], $0x80, v2, vm0, $0xb8;
	[tilespmem:$0x10100] =	vst v63  }
0x85: {  	s1 =	simm.s32 $0x1100  }
0x86: {  	[tilespmem:s1], [sflag:$0x1] =	stream.indirect_vreg.gather [hbm4b:s6+s2], $0x80, v2, vm0, $0xb8;
	[tilespmem:$0x10100] =	vst v63  }
0x87: {  	s1 =	simm.s32 $0x1900  }
0x88: {  	[tilespmem:s1], [sflag:$0x1] =	stream.indirect_vreg.gather [hbm4b:s7+s2], $0x80, v2, vm0, $0xb8;
	[tilespmem:$0x10100] =	vst v63  }
0x89: {  	s1 =	simm.s32 $0x2100  }
0x8a: {  	[tilespmem:s1], [sflag:$0x1] =	stream.indirect_vreg.gather [hbm4b:s8+s2], $0x80, v2, vm0, $0xb8;
	[tilespmem:$0x10100] =	vst v63  }
0x8b: {  	s1 =	simm.s32 $0x2900  }
0x8c: {  	[tilespmem:s1], [sflag:$0x1] =	stream.indirect_vreg.gather [hbm4b:s9+s2], $0x80, v2, vm0, $0xb8;
	[tilespmem:$0x10100] =	vst v63  }
0x8d: {  	s1 =	simm.s32 $0x3100  }
0x8e: {  	[tilespmem:s1], [sflag:$0x1] =	stream.indirect_vreg.gather [hbm4b:s10+s2], $0x80, v2, vm0, $0xb8;
	[tilespmem:$0x10100] =	vst v63  }
0x8f: {  	s1 =	simm.s32 $0x3900  }
0x90: {  	[tilespmem:s1], [sflag:$0x1] =	stream.indirect_vreg.gather [hbm4b:s11+s2], $0x80, v2, vm0, $0xb8;
	[tilespmem:$0x10100] =	vst v63  }
0x91: {  	s1 =	simm.s32 $0x4100  }
0x92: {  	[tilespmem:s1], [sflag:$0x1] =	stream.indirect_vreg.gather [hbm4b:s12+s2], $0x80, v2, vm0, $0xb8;
	[tilespmem:$0x10100] =	vst v63  }
0x93: {  	s1 =	simm.s32 $0x4900  }
0x94: {  	[tilespmem:s1], [sflag:$0x1] =	stream.indirect_vreg.gather [hbm4b:s13+s2], $0x80, v2, vm0, $0xb8;
	[tilespmem:$0x10100] =	vst v63  }
0x95: {  	s1 =	simm.s32 $0x5100  }
0x96: {  	[tilespmem:s1], [sflag:$0x1] =	stream.indirect_vreg.gather [hbm4b:s14+s2], $0x80, v2, vm0, $0xb8;
	[tilespmem:$0x10100] =	vst v63  }
0x97: {  	s1 =	simm.s32 $0x5900  }
0x98: {  	[tilespmem:s1], [sflag:$0x1] =	stream.indirect_vreg.gather [hbm4b:s15+s2], $0x80, v2, vm0, $0xb8;
	[tilespmem:$0x10100] =	vst v63  }
0x99: {  	s1 =	simm.s32 $0x6100  }
0x9a: {  	[tilespmem:s1], [sflag:$0x1] =	stream.indirect_vreg.gather [hbm4b:s16+s2], $0x80, v2, vm0, $0xb8;
	[tilespmem:$0x10100] =	vst v63  }
0x9b: {  	s1 =	simm.s32 $0x6900  }
0x9c: {  	[tilespmem:s1], [sflag:$0x1] =	stream.indirect_vreg.gather [hbm4b:s17+s2], $0x80, v2, vm0, $0xb8;
	[tilespmem:$0x10100] =	vst v63  }
.Ltmp3:
0x9d: {  	_ = 	snop;
	(pc) =	sbr.rel .LBB2_2-.Ltmp3, $4  }
0x9e: {  	s1 =	simm.s32 $0x7100  }
0x9f: {  	[tilespmem:s1], [sflag:$0x1] =	stream.indirect_vreg.gather [hbm4b:s18+s2], $0x80, v2, vm0, $0xb8;
	[tilespmem:$0x10100] =	vst v63  }
0xa0: {  	s0 =	sadd.s32 $0x2000, s0;
	s29 =	sadd.s32 $0x10, s29;
	s1 =	simm.s32 $0x7900  }
0xa1: {  	[tilespmem:s1], [sflag:$0x1] =	stream.indirect_vreg.gather [hbm4b:s19+s2], $0x80, v2, vm0, $0xb8;
	[tilespmem:$0x10100] =	vst v63  }
.LBB2_5:
0xa2: {  	_ =	sfence.sel $0x180000  }
0xa3: {  	[bflag:$0x0] =	sbarrier.arrive $0xFFFF  }
0xa4: {  	_ =	strace $0x90000047  }
0xa5: {  	s0 =	stileid.u32;
	[bflag:$0x2] =	sbarrier.arrive $0xFFFF  }
0xa6: {  	p0 =	sne.s32 s0, $0x0;
	s0 =	rddreg [dreg:$0x2]  }
0xa7: {  	s0 =	sadd.s32 @!p0 $0x100000, s0  }
0xa8: {  	[sflag:s0] =	ssyncadd.tile.s32 @!p0 $0x1;
	_ =	shalt  }
.Lfunc_end2:
_tile_overlayer_lowered:
.L_overlay_start_2:
0xa9: {  	(tag) =	ssettag $0x2  }
0xaa: {  	s0 =	rddreg [dreg:$0x0];
	s2 =	stileid.u32  }
0xab: {  	s1 =	rddreg [dreg:$0x1];
	p0 =	sne.s32 s2, $0x0  }
0xac: {  	s3 =	rddreg [dreg:$0x2];
	[bflag:$0x3] =	sbarrier.arrive $0xFFFF;
	s2 =	simm.s32 @!p0 $0x1C05  }
0xad: {  	[timem:s3], [sflag:s2] =	dma.local @!p0 [hbm:s0], s1  }
0xae: {  	s0 =	simm.s32 @!p0 $0x5  }
0xaf: {  	_ =	swait.ge @!p0 [sflag:s0], s1  }
0xb0: {  	s1 =	ssub.s32 @!p0 $0x0, s1;
	[sflag:s0] =	ssyncset.done @!p0 $0x0  }
0xb1: {  	[sflag:s0] =	ssyncadd.s32 @!p0 s1  }
0xb2: {  	[bflag:$0x3] =	sbarrier.arrive $0xFFFF  }
0xb3: {  	_ =	shalt  }

// kernel: sparse-core-data-format-call.cloned.1.call-start
scs
called_computation_lowered:
.L_overlay_start_0:
0x0: {  	s2 =	sld [smem:$0x3FD9]  }
0x1: {  	s3 =	sld [smem:$0x3FFE];
	_ =	sdelay $0x1  }
0x2: {  	s1 =	srdreg.scid  }
0x3: {  	s0 =	sand.u32 $0x1, s1  }
0x4: {  	s18 =	sshll.u32 s0, $0xA;
	s2 =	sadd.s32 s3, s2  }
0x5: {  	s2 =	sadd.s32 s2, s18  }
0x6: {  	[smem:$0x3FC6] =	sst s2  }
0x7: {  	_ = 	snop  }
0x8: {  	s2 =	sld [smem:$0x3FD0];
	(tm) =	ssettm $0x1  }
0x9: {  	s19 =	sld [smem:$0x3FFB];
	_ =	sdelay $0x3  }
0xa: {  	_ =	strace s19  }
0xb: {  	s3 =	sld [smem:$0x3FFC];
	_ =	sdelay $0x3  }
0xc: {  	_ =	strace s3  }
0xd: {  	s3 =	sld [smem:$0x3FFD];
	_ =	sdelay $0x3  }
0xe: {  	_ =	strace s3  }
0xf: {  	_ =	strace $0x8FFFFFFF  }
0x10: {  	s20 =	sld [smem:$0x3FDB];
	_ =	sdelay $0x1  }
0x11: {  	s4 =	simm.s32 $_scs_section_size  }
0x12: {  	s5 =	simm.s32 $_size__tile_overlayer_lowered;
	s6 =	simm.s32 $_tile_overlayer_lowered  }
0x13: {  	s23 =	simm.s32 $0x1BFF;
	s22 =	sshll.u32 s6, $0x1;
	s3 =	sadd.s32 s4, s20  }
0x14: {  	s7 =	simm.s32 $0x0;
	s21 =	sshll.u32 s5, $0x1;
	s5 =	sadd.s32 s22, s3  }
0x15: {  	[timem:s7], [sflag:s23] =	dma.local [hbm:s5], s21  }
0x16: {  	_ =	swait.ge [sflag:s23], s21  }
0x17: {  	s4 =	ssub.s32 $0x0, s21;
	[sflag:s23] =	ssyncset.done $0x0  }
0x18: {  	[sflag:s23] =	ssyncadd.s32 s4;
	_ =	sdelay $0x1  }
0x19: {  	s24 =	simm.s32 $0x1B8B  }
0x1a: {  	_ =	swait.ge [sflag:s24], $0x1  }
0x1b: {  	[sflag:s24] =	ssyncset.done $0x0  }
0x1c: {  	s26 =	simm.s32 $0x1B8E;
	s25 =	sld [smem:$0x3FFE];
	[sflag:s24] =	ssyncadd.s32 $0xFFFFFFFF  }
0x1d: {  	s27 =	simm.s32 $execute0_lowered;
	[smem:$0x3FD2] =	sst s26  }
0x1e: {  	s5 =	sshll.u32 s27, $0x1;
	_ =	strace $0x80000049;
	[dreg:$0x1] =	wrdreg $0xFFFFFFFF  }
0x1f: {  	s28 =	simm.s32 $_size_execute0_lowered;
	s3 =	sadd.s32 s3, s5;
	[dreg:$0x0] =	wrdreg $0x0  }
0x20: {  	s5 =	sshll.u32 s28, $0x1;
	[dreg:$0x2] =	wrdreg s3  }
0x21: {  	[dreg:$0x3] =	wrdreg s5  }
0x22: {  	[dreg:$0x4] =	wrdreg $0xC0  }
0x23: {  	_ =	task [dreg:s7], $0x5FFFF  }
0x24: {  	[dreg:$0x1] =	wrdreg $0xFFFFFFFF  }
0x25: {  	[dreg:$0x0] =	wrdreg $0x60  }
0x26: {  	[dreg:$0x2] =	wrdreg s25  }
0x27: {  	[dreg:$0x3] =	wrdreg s2  }
0x28: {  	[dreg:$0x4] =	wrdreg $0x9  }
0x29: {  	_ =	task.clear_ibuf [dreg:s7], $0x5FFFF;
	_ =	strace $0x90000049  }
0x2a: {  	s29 =	simm.s32 $0x9;
	_ =	strace $0x8000004B  }
0x2b: {  	_ =	swait.ge [sflag:s29], $0x1  }
0x2c: {  	[sflag:s29] =	ssyncadd.s32 $0xFFFFFFFF  }
0x2d: {  	_ =	strace $0x9000004B  }
0x2e: {  	_ =	sfence  }
0x2f: {  	s30 =	sld [smem:$0x0];
	_ =	sdelay $0x2  }
0x30: {  	s31 =	sshll.u32 s1, $0xD;
	s1 =	sshrl.u32 s1, $0x2  }
0x31: {  	s3 =	sand.u32 $0x4000, s31;
	s1 =	sadd.s32 s1, s30  }
0x32: {  	s0 =	sor.u32 s3, s0;
	s1 =	sshll.u32 s1, $0x11  }
0x33: {  	s0 =	sor.u32 s1, s0  }
0x34: {  	s0 =	sadd.s32 $0x8F2B, s0  }
0x35: {  	[sflag:s0] =	ssyncadd.remote.s32 $0x1  }
0x36: {  	_ =	sfence.sel $0xFFFF  }
0x37: {  	[dreg:$0x0] =	wrdreg $0xFFFFFFFF;
	(pc) =	sbr.abs _section_cstart, $3  }
0x38: {  	[dreg:$0x1] =	wrdreg $0xFFFFFFFF  }
0x39: {  	_ =	task.clear_ibuf [dreg:s7], $0x2FFFF;
	_ =	strace $0x9FFFFFFF  }
0x3a: {  	(tm) =	ssettm $0x7FFFFFFF  }
0x3b: {  	_ =	shalt  }
tec
execute0_lowered:
.L_overlay_start_1:
0x0: {  	(tag) =	ssettag $0x1  }
0x1: {  	s0 =	stileid.u32  }
0x2: {  	s1 =	srdreg.scid;
	s5 =	rddreg [dreg:$0x0];
	s31 =	simm.s32 $0x2  }
0x3: {  	s14 =	simm.s32 $0x0;
	s2 =	sshll.u32 s0, $0x6;
	s1 =	sshll.u32 s1, $0xA  }
0x4: {  	s9 =	simm.s32 $0x8000;
	s15 =	simm.s32 $0x0;
	s1 =	sor.u32 s2, s1  }
0x5: {  	s16 =	simm.s32 $0x0;
	s10 =	simm.s32 $0x0;
	s1 =	sand.u32 $0x780, s1  }
0x6: {  	s13 =	simm.s32 $0x0;
	s2 =	sand.u32 $0x1, s0;
	s3 =	ssub.s32 $0x1000, s1  }
0x7: {  	s5 =	sadd.s32 $0x800, s5;
	s4 =	ssub.s32 $0x2, s2;
	s6 =	sand.u32 $0x780, s3  }
0x8: {  	s7 =	sshrl.u32 s4, $0x1;
	p0 =	sne.s32 s6, $0x0;
	s6 =	simm.s32 $0x1  }
0x9: {  	s8 =	sand.u32 $0x1, s4;
	s3 =	sshrl.u32 s3, $0xB;
	s6 =	simm.s32 @!p0 $0x0  }
.Ltmp0:
0xa: {  	s7 =	sadd.s32 s8, s7;
	s6 =	sadd.s32 s6, s3;
	(pc) =	sbr.rel .LBB1_1-.Ltmp0, $4  }
0xb: {  	s12 =	smov.u32 s2;
	s4 =	rddreg [dreg:$0x1];
	s7 =	smul.u32 s6, s7  }
0xc: {  	s3 =	rddreg [dreg:$0x2];
	_ =	strace $0x8000004A;
	s6 =	simm.s32 $0x1  }
0xd: {  	s11 =	smov.u32 s1;
	[sflag:s6] =	ssyncpa.u1 $0x0;
	s7 =	sshll.u32 s7, $0x6  }
0xe: {  	p0 =	por $0x0, $0x0;
	[sflag:s31] =	ssyncpa.u1 $0x0;
	s8 =	sor.u32 $0x1, s7  }
.LBB1_4:
0xf: {  	s19 =	sshll.u32 s15, $0x3  }
0x10: {  	s20 =	sand.u32 $0x78, s15;
	s16 =	sshll.u32 s16, $0x15;
	s30 =	sand.u32 $0x7E00, s15  }
0x11: {  	s14 =	sshll.u32 s14, $0xF;
	s19 =	sand.u32 $0xC00, s19;
	s16 =	sadd.s32 s4, s16  }
0x12: {  	[tilespmem:s18+$0x810 ss:$0x81] =	vst.msk $0xffff, v2;
	s31 =	sand.u32 $0x7, s15;
	s19 =	sor.u32 s20, s19;
	s16 =	sadd.s32 s30, s16  }
0x13: {  	[tilespmem:s18+$0x1020 ss:$0x81] =	vst.msk $0xffff, v0;
	s15 =	sshll.u32 s31, $0x12;
	s19 =	sshrl.u32 s19, $0x3;
	s14 =	sadd.s32 s14, s16  }
0x14: {  	[tilespmem:s18+$0x0 ss:$0x81] =	vst.msk $0xffff, v1;
	s15 =	sor.u32 $0x400, s15;
	s14 =	sadd.s32 s19, s14  }
0x15: {  	[hbm4b:s14+s15] =	stream.strided.scatter [tilespmem:s17], [sflag:$0x2], $0x2000, s9, s15, $0x20;
	[tilespmem:$0x8080] =	vst v63  }
.LBB1_5:
0x16: {  	s17 =	sadd.s32 $0x1, s10  }
0x17: {  	s14 =	sadd.s32 $0x800, s11;
	s18 =	smov.u32 s11;
	p2 =	sgt.s32 s17, $0x3F  }
0x18: {  	s18 =	smov.u32 @p2 s14  }
0x19: {  	s20 =	smov.u32 s12;
	s14 =	sadd.s32 $0x2, s12;
	p3 =	sgt.s32 s18, $0xFFF  }
0x1a: {  	s20 =	smov.u32 @p3 s14  }
0x1b: {  	s17 =	simm.s32 @p2 $0x0;
	p2 =	sgt.s32 s20, $0x1  }
0x1c: {  	p1 =	slt.u32 s13, $0x2;
	s20 =	smov.u32 @p2 s2;
	p2 =	sne.s32 s13, s8  }
.Ltmp1:
0x1d: {  	s19 =	simm.s32 @!p1 $0x2;
	(pc) =	sbr.rel @!p2 .LBB1_6-.Ltmp1, $4  }
0x1e: {  	s15 =	smov.u32 s11;
	s16 =	smov.u32 s12;
	_ =	swait.ge @!p1 [sflag:s19], $0x2000  }
0x1f: {  	p0 =	por !p0, !p0;
	[sflag:s19] =	ssyncset.done @!p1 $0x0;
	s18 =	smov.u32 @p3 s1  }
0x20: {  	s14 =	smov.u32 s10;
	[sflag:s19] =	ssyncadd.s32 @!p1 $0xFFFFE000;
	s10 =	smov.u32 s17  }
0x21: {  	s11 =	smov.u32 s18;
	s13 =	sadd.s32 $0x1, s13;
	s12 =	smov.u32 s20  }
.LBB1_1:
0x22: {  	p1 =	sge.u32 s13, s7;
	s31 =	sadd.s32 $0xFFFFFFFF, s13  }
0x23: {  	s17 =	sxor.u32 @!p1 $0xFFFFFFFF, s13;
	s18 =	sshll.u32 @!p1 s12, $0x16;
	s19 =	sshll.u32 @!p1 s11, $0xA  }
0x24: {  	s20 =	sshll.u32 @!p1 s10, $0x4;
	s17 =	sshll.u32 @!p1 s17, $0xD;
	s18 =	sadd.s32 @!p1 s5, s18  }
0x25: {  	s20 =	sand.u32 @!p1 $0x3F0, s20;
	s17 =	sand.u32 @!p1 $0x2000, s17;
	s18 =	sadd.s32 @!p1 s19, s18  }
0x26: {  	s19 =	simm.s32 @!p1 $0x40;
	s18 =	sadd.s32 @!p1 s20, s18;
	s20 =	simm.s32 @!p1 $0x2000  }
0x27: {  	[tilespmem:s17], [sflag:$0x1] =	stream.strided.gather @!p1 [hbm4b:s18+s19], $0x2000, s20, s19, $0x38;
	[tilespmem:$0x8080] =	vst v63  }
0x28: {  	p1 =	sge.u32 s31, s7  }
.Ltmp2:
0x29: {  	_ = 	snop;
	(pc) =	sbr.rel @p1 .LBB1_5-.Ltmp2, $1  }
0x2a: {  	_ =	sdelay $0x3  }
0x2b: {  	s17 =	simm.s32 $0x1  }
0x2c: {  	_ =	swait.ge [sflag:s6], $0x2000;
	s17 =	simm.s32 @!p0 $0x0  }
0x2d: {  	[sflag:s6] =	ssyncset.done $0x0;
	s18 =	sshll.u32 s17, $0xD  }
0x2e: {  	[sflag:s6] =	ssyncadd.s32 $0xFFFFE000;
	s21 =	sor.u32 $0x20, s18  }
0x2f: {  	s17 =	smul.u32 $0x8100, s17;
	v3 =	vld [tilespmem:s21+$0x10]  }
0x30: {  	s30 =	sand.u32 $0x1, s13;
	v2 =	vld [tilespmem:s21+$0xFFFFFFF0]  }
0x31: {  	s18 =	smul.u32 $0x8100, s30;
	s17 =	sshrl.u32 s17, $0x2;
	v0 =	vld [tilespmem:s21+$0x0]  }
0x32: {  	v1 =	vld [tilespmem:s21+$0xFFFFFFE0];
	s19 =	sor.u32 $0x4000, s17  }
0x33: {  	s31 =	sshrl.u32 s18, $0x2;
	s18 =	sadd.s32 $0x0, s19  }
0x34: {  	s20 =	simm.s32 $0x4;
	s21 =	sadd.s32 $0x40, s21;
	s17 =	sor.u32 $0x4000, s31;
	[tilespmem:s18+$0x1830 ss:$0x81] =	vst.msk $0xffff, v3  }
.LBB1_3:
0x35: {  	v3 =	vld [tilespmem:s21+$0x10];
	p1 =	sne.s32 s20, $0x1FC;
	[tilespmem:s18+$0x810 ss:$0x81] =	vst.msk $0xffff, v2;
	s22 =	smov.u32 s20;
	s20 =	sadd.s32 $0x4, s20  }
.Ltmp3:
0x36: {  	v2 =	vld [tilespmem:s21+$0xFFFFFFF0];
	[tilespmem:s18+$0x1020 ss:$0x81] =	vst.msk $0xffff, v0;
	(pc) =	sbr.rel @p1 .LBB1_3-.Ltmp3, $4  }
0x37: {  	v0 =	vld [tilespmem:s21+$0x0];
	[tilespmem:s18+$0x0 ss:$0x81] =	vst.msk $0xffff, v1  }
0x38: {  	s18 =	sshra.s32 s22, $0x2;
	v1 =	vld [tilespmem:s21+$0xFFFFFFE0]  }
0x39: {  	s18 =	sadd.s32 s18, s19  }
0x3a: {  	s21 =	sadd.s32 $0x40, s21;
	[tilespmem:s18+$0x1830 ss:$0x81] =	vst.msk $0xffff, v3  }
.Ltmp4:
0x3b: {  	_ = 	snop;
	(pc) =	sbr.rel .LBB1_4-.Ltmp4, $1  }
0x3c: {  	_ =	sdelay $0x3  }
.LBB1_6:
0x3d: {  	_ =	sfence.sel $0x180000  }
0x3e: {  	s1 =	simm.s32 $0x1;
	[bflag:$0x0] =	sbarrier.arrive $0xFFFF  }
0x3f: {  	s31 =	simm.s32 $0x2;
	[sflag:s1] =	ssyncpa.u1 $0x1  }
0x40: {  	[sflag:s31] =	ssyncpa.u1 $0x1  }
0x41: {  	p0 =	sne.s32 s0, $0x0;
	_ =	strace $0x9000004A  }
0x42: {  	s0 =	sadd.s32 @!p0 $0x100000, s3;
	[bflag:$0x2] =	sbarrier.arrive $0xFFFF  }
0x43: {  	[sflag:s0] =	ssyncadd.tile.s32 @!p0 $0x1;
	_ =	shalt  }
.Lfunc_end1:
_tile_overlayer_lowered:
.L_overlay_start_2:
0x44: {  	(tag) =	ssettag $0x2  }
0x45: {  	s0 =	rddreg [dreg:$0x0];
	s2 =	stileid.u32  }
0x46: {  	s1 =	rddreg [dreg:$0x1];
	p0 =	sne.s32 s2, $0x0  }
0x47: {  	s3 =	rddreg [dreg:$0x2];
	[bflag:$0x3] =	sbarrier.arrive $0xFFFF;
	s2 =	simm.s32 @!p0 $0x1C01  }
0x48: {  	[timem:s3], [sflag:s2] =	dma.local @!p0 [hbm:s0], s1  }
0x49: {  	s0 =	simm.s32 @!p0 $0x1  }
0x4a: {  	_ =	swait.ge @!p0 [sflag:s0], s1  }
0x4b: {  	s1 =	ssub.s32 @!p0 $0x0, s1;
	[sflag:s0] =	ssyncset.done @!p0 $0x0  }
0x4c: {  	[sflag:s0] =	ssyncadd.s32 @!p0 s1  }
0x4d: {  	[bflag:$0x3] =	sbarrier.arrive $0xFFFF  }
0x4e: {  	_ =	shalt  }

</sc_bundles>
